<compile_context>
chip_gen: v7x
topology: tpu7x:2x2x1
jax: 0.10.2.dev20260603
libtpu: 0.0.44.dev20260713+nightly
codegen_flags: <defaults>
</compile_context>

<pallas_src>
import functools

import jax
import jax.numpy as jnp
from jax import lax
from jax.experimental import pallas as pl
from jax.experimental.pallas import tpu as pltpu
from jax.experimental.pallas import tpu_sc as plsc

NC, NS = 2, 16
V = 1000000
D = 64
B1, B2 = 4096, 200
B = B1 * B2
CPS = D // NC
PPT = B // NS
CB = 2048
NCH = PPT // CB

_MESH = plsc.VectorSubcoreMesh(
    core_axis_name="c", subcore_axis_name="s", num_cores=NC, num_subcores=NS
)


@functools.partial(
    pl.kernel,
    out_type=jax.ShapeDtypeStruct((B2 * D, B1), jnp.float32),
    mesh=_MESH,
    compiler_params=pltpu.CompilerParams(
        use_tc_tiling_on_sc=True, disable_bounds_checks=True
    ),
    scratch_types=[
        pltpu.VMEM((PPT,), jnp.int32),
        pltpu.VMEM((CB,), jnp.float32),
        pltpu.VMEM((CB,), jnp.float32),
        pltpu.VMEM((CB,), jnp.float32),
        pltpu.VMEM((CB,), jnp.float32),
        pltpu.VMEM_SHARED((V,), jnp.float32),
        pltpu.SemaphoreType.DMA,
        pltpu.SemaphoreType.DMA,
        pltpu.SemaphoreType.DMA,
        pltpu.SemaphoreType.DMA,
        pltpu.SemaphoreType.DMA,
        pltpu.SemaphoreType.DMA,
        pltpu.SemaphoreType.DMA,
        pltpu.SemaphoreType.DMA,
        pltpu.SemaphoreType.DMA,
    ],
)
def _colgather(xt_hbm, tt_hbm, out_hbm, idx_v, gb0, gb1, gb2, gb3, colA,
               sg0, sg1, sg2, sg3, sw0, sw1, sw2, sw3, scol):
    cid = lax.axis_index("c")
    sid = lax.axis_index("s")
    p0 = pl.multiple_of(sid * PPT, PPT)
    pltpu.sync_copy(xt_hbm.at[pl.ds(p0, PPT)], idx_v)

    gbufs = (gb0, gb1, gb2, gb3)
    gsems = (sg0, sg1, sg2, sg3)
    wsems = (sw0, sw1, sw2, sw3)
    jbase = cid * CPS

    def load_col(jj):
        @pl.when(sid == 0)
        def _():
            pltpu.async_copy(tt_hbm.at[jbase + jj], colA, scol)

    def wait_col(jj):
        @pl.when(sid == 0)
        def _():
            pltpu.make_async_copy(tt_hbm.at[jbase + jj], colA, scol).wait()

    load_col(0)
    wait_col(0)

    @pl.loop(0, CPS)
    def _cols(jj):
        plsc.subcore_barrier()
        j = jbase + jj

        def g_start(k, b):
            pltpu.async_copy(
                colA.at[idx_v.at[pl.ds(pl.multiple_of(k * CB, CB), CB)]],
                gbufs[b], gsems[b],
            )

        def g_wait(k, b):
            pltpu.make_async_copy(
                colA.at[idx_v.at[pl.ds(pl.multiple_of(k * CB, CB), CB)]],
                gbufs[b], gsems[b],
            ).wait()

        def w_dst(k):
            p = p0 + k * CB
            r = (p >> 12) * D + j
            b1 = pl.multiple_of(p & (B1 - 1), CB)
            return out_hbm.at[r, pl.ds(b1, CB)]

        def w_start(k, b):
            pltpu.async_copy(gbufs[b], w_dst(k), wsems[b])

        def w_wait(k, b):
            pltpu.make_async_copy(gbufs[b], w_dst(k), wsems[b]).wait()

        for b in range(4):
            g_start(b, b)

        @pl.loop(0, NCH - 1, step=4)
        def _chunks(k):
            for q in range(4):
                g_wait(k + q, q)
                w_start(k + q, q)
            for q in range(4):
                @pl.when(k + 4 + q < NCH)
                def _(q=q):
                    w_wait(k + q, q)
                    g_start(k + 4 + q, q)

        g_wait(NCH - 1, 0)
        plsc.subcore_barrier()

        @pl.when(jj + 1 < CPS)
        def _():
            load_col(jj + 1)

        w_start(NCH - 1, 0)
        for q in range(1, 4):
            w_wait(NCH - 5 + q, q)
        w_wait(NCH - 1, 0)

        @pl.when(jj + 1 < CPS)
        def _():
            wait_col(jj + 1)


def kernel(x, table):
    xt = x.T.reshape(-1)
    tt = table.T
    out2 = _colgather(xt, tt)
    out3 = out2.reshape(B2, D, B1)
    return jnp.transpose(out3, (2, 0, 1))

# --- scband reference (transcript-rebuilt; emitter-appended) ---
"""Pipeline reference for scband-embedding-35699768165036 (READ-ONLY COPY).

The authoritative reference and input builder live on the scoring server;
editing this copy changes nothing except your own understanding.
"""

import jax, jax.numpy as jnp
import numpy as np


def setup_inputs(seed: int = 0) -> dict:
    key = jax.random.key(seed)
    k1, k2 = jax.random.split(key)
    vocab_size = 1000000
    d_model = 64
    x = jax.random.randint(k1, (4096, 200), 0, vocab_size, dtype=jnp.int64 if jax.config.jax_enable_x64 else jnp.int32)
    table = jax.random.normal(k2, (vocab_size, d_model), dtype=jnp.float32) * 0.02
    return {"x": x, "table": table}


def reference(x, table):
    # Embedding.forward: self.embedding(x) + self.positional_encoding(x)
    # PositionalEncoding defines no forward (no-op module); the only real
    # computation is the embedding gather.
    return jnp.take(table, x, axis=0)

if __name__ == "__main__":
    import jax
    _d = setup_inputs()
    print(jax.jit(kernel)(*tuple(_d.values())))

</pallas_src>

<mosaic_0001>
#map = affine_map<(d0, d1) -> (0)>
#map1 = affine_map<(d0, d1) -> (0, 0)>
module attributes {stable_mosaic.version = 14 : i64} {
  func.func @_colgather(%arg0: i32, %arg1: i32, %arg2: memref<819200xi32, #tpu.memory_space<hbm>>, %arg3: memref<64x1000000xf32, #tpu.memory_space<hbm>>, %arg4: memref<12800x4096xf32, #tpu.memory_space<hbm>>, %arg5: memref<51200xi32, #tpu.memory_space<vmem>>, %arg6: memref<2048xf32, #tpu.memory_space<vmem>>, %arg7: memref<2048xf32, #tpu.memory_space<vmem>>, %arg8: memref<2048xf32, #tpu.memory_space<vmem>>, %arg9: memref<2048xf32, #tpu.memory_space<vmem>>, %arg10: memref<1000000xf32, #tpu.memory_space<vmem_shared>>, %arg11: memref<!tpu.dma_semaphore, #tpu.memory_space<semaphore_mem>>, %arg12: memref<!tpu.dma_semaphore, #tpu.memory_space<semaphore_mem>>, %arg13: memref<!tpu.dma_semaphore, #tpu.memory_space<semaphore_mem>>, %arg14: memref<!tpu.dma_semaphore, #tpu.memory_space<semaphore_mem>>, %arg15: memref<!tpu.dma_semaphore, #tpu.memory_space<semaphore_mem>>, %arg16: memref<!tpu.dma_semaphore, #tpu.memory_space<semaphore_mem>>, %arg17: memref<!tpu.dma_semaphore, #tpu.memory_space<semaphore_mem>>, %arg18: memref<!tpu.dma_semaphore, #tpu.memory_space<semaphore_mem>>, %arg19: memref<!tpu.dma_semaphore, #tpu.memory_space<semaphore_mem>>) attributes {dimension_semantics = [#tpu.dimension_semantics<core_parallel>, #tpu.dimension_semantics<subcore_parallel>], iteration_bounds = array<i64: 2, 16>, scalar_prefetch = 0 : i64, scratch_operands = 15 : i64, tpu.core_type = #tpu.core_type<sc_vector_subcore>, window_params = [{transform_indices = #map}, {transform_indices = #map1}, {transform_indices = #map1}]} {
    %mul3A = arith.constant 51200 : i32
    %mul3A_0 = arith.muli %arg1, %mul3A : i32
    %multiple_of3A = tpu.assume_multiple %mul3A_0, 51200 : i32
    "tpu.region"() ({
      %run_scoped3A = tpu.sem_alloc : memref<!tpu.dma_semaphore, #tpu.memory_space<semaphore_mem>>
      %dma_start3A = tpu.memref_slice %arg2[%multiple_of3A] : memref<819200xi32, #tpu.memory_space<hbm>> -> memref<51200xi32, #tpu.memory_space<hbm>>
      %dma_start3A_14 = tpu.memref_slice %arg2[%multiple_of3A] : memref<819200xi32, #tpu.memory_space<hbm>> -> memref<51200xi32, #tpu.memory_space<hbm>>
      tpu.enqueue_dma source(%dma_start3A_14 : memref<51200xi32, #tpu.memory_space<hbm>>) target(%arg5 : memref<51200xi32, #tpu.memory_space<vmem>>) target_semaphore(%run_scoped3A : memref<!tpu.dma_semaphore, #tpu.memory_space<semaphore_mem>>)
      %dma_wait3A = tpu.memref_slice %arg2[%multiple_of3A] : memref<819200xi32, #tpu.memory_space<hbm>> -> memref<51200xi32, #tpu.memory_space<hbm>>
      %dma_wait3A_15 = tpu.memref_slice %arg2[%multiple_of3A] : memref<819200xi32, #tpu.memory_space<hbm>> -> memref<51200xi32, #tpu.memory_space<hbm>>
      tpu.wait_dma2 semaphore(%run_scoped3A : memref<!tpu.dma_semaphore, #tpu.memory_space<semaphore_mem>>) src(%dma_wait3A_15 : memref<51200xi32, #tpu.memory_space<hbm>>) dst(%arg5 : memref<51200xi32, #tpu.memory_space<vmem>>)
      tpu.yield
    }) : () -> ()
    %mul3A_1 = arith.constant 32 : i32
    %mul3A_2 = arith.muli %arg0, %mul3A_1 : i32
    %eq3A = arith.constant 0 : i32
    %eq3A_3 = arith.cmpi eq, %arg1, %eq3A : i32
    %convert_element_type3A = arith.extui %eq3A_3 : i1 to i32
    %cond3A = arith.constant 0 : i32
    %cond3A_4 = arith.cmpi ne, %convert_element_type3A, %cond3A : i32
    scf.if %cond3A_4 {
      %add3A = arith.constant 0 : i32
      %add3A_14 = arith.addi %mul3A_2, %add3A : i32
      %dma_start3A = arith.constant 0 : i32
      %dma_start3A_15 = tpu.memref_slice %arg3[%add3A_14, %dma_start3A] : memref<64x1000000xf32, #tpu.memory_space<hbm>> -> memref<1x1000000xf32, #tpu.memory_space<hbm>>
      %dma_start3A_16 = tpu.memref_squeeze %dma_start3A_15 : memref<1x1000000xf32, #tpu.memory_space<hbm>> -> memref<1000000xf32, #tpu.memory_space<hbm>>
      tpu.enqueue_dma source(%dma_start3A_16 : memref<1000000xf32, #tpu.memory_space<hbm>>) target(%arg10 : memref<1000000xf32, #tpu.memory_space<vmem_shared>>) target_semaphore(%arg19 : memref<!tpu.dma_semaphore, #tpu.memory_space<semaphore_mem>>)
    } else {
    }
    %eq3A_5 = arith.constant 0 : i32
    %eq3A_6 = arith.cmpi eq, %arg1, %eq3A_5 : i32
    %convert_element_type3A_7 = arith.extui %eq3A_6 : i1 to i32
    %cond3A_8 = arith.constant 0 : i32
    %cond3A_9 = arith.cmpi ne, %convert_element_type3A_7, %cond3A_8 : i32
    scf.if %cond3A_9 {
      %add3A = arith.constant 0 : i32
      %add3A_14 = arith.addi %mul3A_2, %add3A : i32
      %dma_wait3A = arith.constant 0 : i32
      %dma_wait3A_15 = tpu.memref_slice %arg3[%add3A_14, %dma_wait3A] : memref<64x1000000xf32, #tpu.memory_space<hbm>> -> memref<1x1000000xf32, #tpu.memory_space<hbm>>
      %dma_wait3A_16 = tpu.memref_squeeze %dma_wait3A_15 : memref<1x1000000xf32, #tpu.memory_space<hbm>> -> memref<1000000xf32, #tpu.memory_space<hbm>>
      tpu.wait_dma2 semaphore(%arg19 : memref<!tpu.dma_semaphore, #tpu.memory_space<semaphore_mem>>) src(%dma_wait3A_16 : memref<1000000xf32, #tpu.memory_space<hbm>>) dst(%arg10 : memref<1000000xf32, #tpu.memory_space<vmem_shared>>)
    } else {
    }
    %scan3A = arith.constant 0 : i32
    %scan3A_10 = arith.constant 32 : i32
    %scan3A_11 = arith.addi %scan3A, %scan3A_10 : i32
    %scan3A_12 = arith.constant 1 : i32
    scf.for %scan3A_14 = %scan3A to %scan3A_11 step %scan3A_12  : i32 {
      %mul3A_15 = arith.constant 1 : i32
      %mul3A_16 = arith.muli %scan3A_14, %mul3A_15 : i32
      %add3A = arith.constant 0 : i32
      %add3A_17 = arith.addi %add3A, %mul3A_16 : i32
      %barrier3A = arith.constant 0 : index
      tpu.barrier barrier_id(%barrier3A)
      %add3A_18 = arith.addi %mul3A_2, %add3A_17 : i32
      %multiple_of3A_19 = arith.constant 0 : i32
      %multiple_of3A_20 = tpu.assume_multiple %multiple_of3A_19, 2048 : i32
      %dma_start3A = tpu.memref_slice %arg5[%multiple_of3A_20] : memref<51200xi32, #tpu.memory_space<vmem>> -> memref<2048xi32, #tpu.memory_space<vmem>>
      %dma_start3A_21 = arith.constant 0 : i32
      %dma_start3A_22 = tpu.memref_slice %arg10[%dma_start3A_21] : memref<1000000xf32, #tpu.memory_space<vmem_shared>> -> memref<1000000xf32, #tpu.memory_space<vmem_shared>>
      tpu.enqueue_indirect_dma source(%dma_start3A_22 : memref<1000000xf32, #tpu.memory_space<vmem_shared>>) target(%arg6 : memref<2048xf32, #tpu.memory_space<vmem>>) offsets(%dma_start3A : memref<2048xi32, #tpu.memory_space<vmem>>) semaphore(%arg11 : memref<!tpu.dma_semaphore, #tpu.memory_space<semaphore_mem>>)
      %multiple_of3A_23 = arith.constant 2048 : i32
      %multiple_of3A_24 = tpu.assume_multiple %multiple_of3A_23, 2048 : i32
      %dma_start3A_25 = tpu.memref_slice %arg5[%multiple_of3A_24] : memref<51200xi32, #tpu.memory_space<vmem>> -> memref<2048xi32, #tpu.memory_space<vmem>>
      %dma_start3A_26 = arith.constant 0 : i32
      %dma_start3A_27 = tpu.memref_slice %arg10[%dma_start3A_26] : memref<1000000xf32, #tpu.memory_space<vmem_shared>> -> memref<1000000xf32, #tpu.memory_space<vmem_shared>>
      tpu.enqueue_indirect_dma source(%dma_start3A_27 : memref<1000000xf32, #tpu.memory_space<vmem_shared>>) target(%arg7 : memref<2048xf32, #tpu.memory_space<vmem>>) offsets(%dma_start3A_25 : memref<2048xi32, #tpu.memory_space<vmem>>) semaphore(%arg12 : memref<!tpu.dma_semaphore, #tpu.memory_space<semaphore_mem>>)
      %multiple_of3A_28 = arith.constant 4096 : i32
      %multiple_of3A_29 = tpu.assume_multiple %multiple_of3A_28, 2048 : i32
      %dma_start3A_30 = tpu.memref_slice %arg5[%multiple_of3A_29] : memref<51200xi32, #tpu.memory_space<vmem>> -> memref<2048xi32, #tpu.memory_space<vmem>>
      %dma_start3A_31 = arith.constant 0 : i32
      %dma_start3A_32 = tpu.memref_slice %arg10[%dma_start3A_31] : memref<1000000xf32, #tpu.memory_space<vmem_shared>> -> memref<1000000xf32, #tpu.memory_space<vmem_shared>>
      tpu.enqueue_indirect_dma source(%dma_start3A_32 : memref<1000000xf32, #tpu.memory_space<vmem_shared>>) target(%arg8 : memref<2048xf32, #tpu.memory_space<vmem>>) offsets(%dma_start3A_30 : memref<2048xi32, #tpu.memory_space<vmem>>) semaphore(%arg13 : memref<!tpu.dma_semaphore, #tpu.memory_space<semaphore_mem>>)
      %multiple_of3A_33 = arith.constant 6144 : i32
      %multiple_of3A_34 = tpu.assume_multiple %multiple_of3A_33, 2048 : i32
      %dma_start3A_35 = tpu.memref_slice %arg5[%multiple_of3A_34] : memref<51200xi32, #tpu.memory_space<vmem>> -> memref<2048xi32, #tpu.memory_space<vmem>>
      %dma_start3A_36 = arith.constant 0 : i32
      %dma_start3A_37 = tpu.memref_slice %arg10[%dma_start3A_36] : memref<1000000xf32, #tpu.memory_space<vmem_shared>> -> memref<1000000xf32, #tpu.memory_space<vmem_shared>>
      tpu.enqueue_indirect_dma source(%dma_start3A_37 : memref<1000000xf32, #tpu.memory_space<vmem_shared>>) target(%arg9 : memref<2048xf32, #tpu.memory_space<vmem>>) offsets(%dma_start3A_35 : memref<2048xi32, #tpu.memory_space<vmem>>) semaphore(%arg14 : memref<!tpu.dma_semaphore, #tpu.memory_space<semaphore_mem>>)
      %scan3A_38 = arith.constant 0 : i32
      %scan3A_39 = arith.constant 6 : i32
      %scan3A_40 = arith.addi %scan3A_38, %scan3A_39 : i32
      %scan3A_41 = arith.constant 1 : i32
      scf.for %scan3A_129 = %scan3A_38 to %scan3A_40 step %scan3A_41  : i32 {
        %mul3A_130 = arith.constant 4 : i32
        %mul3A_131 = arith.muli %scan3A_129, %mul3A_130 : i32
        %add3A_132 = arith.constant 0 : i32
        %add3A_133 = arith.addi %add3A_132, %mul3A_131 : i32
        %add3A_134 = arith.constant 0 : i32
        %add3A_135 = arith.addi %add3A_133, %add3A_134 : i32
        %mul3A_136 = arith.constant 2048 : i32
        %mul3A_137 = arith.muli %add3A_135, %mul3A_136 : i32
        %multiple_of3A_138 = tpu.assume_multiple %mul3A_137, 2048 : i32
        %dma_wait3A_139 = tpu.memref_slice %arg5[%multiple_of3A_138] : memref<51200xi32, #tpu.memory_space<vmem>> -> memref<2048xi32, #tpu.memory_space<vmem>>
        %dma_wait3A_140 = arith.constant 0 : i32
        %dma_wait3A_141 = tpu.memref_slice %arg10[%dma_wait3A_140] : memref<1000000xf32, #tpu.memory_space<vmem_shared>> -> memref<1000000xf32, #tpu.memory_space<vmem_shared>>
        tpu.wait_indirect_dma semaphore(%arg11 : memref<!tpu.dma_semaphore, #tpu.memory_space<semaphore_mem>>) src(%dma_wait3A_141 : memref<1000000xf32, #tpu.memory_space<vmem_shared>>) dst(%arg6 : memref<2048xf32, #tpu.memory_space<vmem>>)
        %add3A_142 = arith.constant 0 : i32
        %add3A_143 = arith.addi %add3A_133, %add3A_142 : i32
        %mul3A_144 = arith.constant 2048 : i32
        %mul3A_145 = arith.muli %add3A_143, %mul3A_144 : i32
        %add3A_146 = arith.addi %multiple_of3A, %mul3A_145 : i32
        %shift_right_arithmetic3A_147 = arith.constant 12 : i32
        %shift_right_arithmetic3A_148 = arith.shrsi %add3A_146, %shift_right_arithmetic3A_147 : i32
        %mul3A_149 = arith.constant 64 : i32
        %mul3A_150 = arith.muli %shift_right_arithmetic3A_148, %mul3A_149 : i32
        %add3A_151 = arith.addi %mul3A_150, %add3A_18 : i32
        %and3A_152 = arith.constant 4095 : i32
        %and3A_153 = arith.andi %add3A_146, %and3A_152 : i32
        %multiple_of3A_154 = tpu.assume_multiple %and3A_153, 2048 : i32
        %dma_start3A_155 = tpu.memref_slice %arg4[%add3A_151, %multiple_of3A_154] : memref<12800x4096xf32, #tpu.memory_space<hbm>> -> memref<1x2048xf32, #tpu.memory_space<hbm>>
        %dma_start3A_156 = tpu.memref_squeeze %dma_start3A_155 : memref<1x2048xf32, #tpu.memory_space<hbm>> -> memref<2048xf32, #tpu.memory_space<hbm>>
        %dma_start3A_157 = tpu.memref_slice %arg4[%add3A_151, %multiple_of3A_154] : memref<12800x4096xf32, #tpu.memory_space<hbm>> -> memref<1x2048xf32, #tpu.memory_space<hbm>>
        %dma_start3A_158 = tpu.memref_squeeze %dma_start3A_157 : memref<1x2048xf32, #tpu.memory_space<hbm>> -> memref<2048xf32, #tpu.memory_space<hbm>>
        tpu.enqueue_dma source(%arg6 : memref<2048xf32, #tpu.memory_space<vmem>>) target(%dma_start3A_158 : memref<2048xf32, #tpu.memory_space<hbm>>) target_semaphore(%arg15 : memref<!tpu.dma_semaphore, #tpu.memory_space<semaphore_mem>>)
        %add3A_159 = arith.constant 1 : i32
        %add3A_160 = arith.addi %add3A_133, %add3A_159 : i32
        %mul3A_161 = arith.constant 2048 : i32
        %mul3A_162 = arith.muli %add3A_160, %mul3A_161 : i32
        %multiple_of3A_163 = tpu.assume_multiple %mul3A_162, 2048 : i32
        %dma_wait3A_164 = tpu.memref_slice %arg5[%multiple_of3A_163] : memref<51200xi32, #tpu.memory_space<vmem>> -> memref<2048xi32, #tpu.memory_space<vmem>>
        %dma_wait3A_165 = arith.constant 0 : i32
        %dma_wait3A_166 = tpu.memref_slice %arg10[%dma_wait3A_165] : memref<1000000xf32, #tpu.memory_space<vmem_shared>> -> memref<1000000xf32, #tpu.memory_space<vmem_shared>>
        tpu.wait_indirect_dma semaphore(%arg12 : memref<!tpu.dma_semaphore, #tpu.memory_space<semaphore_mem>>) src(%dma_wait3A_166 : memref<1000000xf32, #tpu.memory_space<vmem_shared>>) dst(%arg7 : memref<2048xf32, #tpu.memory_space<vmem>>)
        %add3A_167 = arith.constant 1 : i32
        %add3A_168 = arith.addi %add3A_133, %add3A_167 : i32
        %mul3A_169 = arith.constant 2048 : i32
        %mul3A_170 = arith.muli %add3A_168, %mul3A_169 : i32
        %add3A_171 = arith.addi %multiple_of3A, %mul3A_170 : i32
        %shift_right_arithmetic3A_172 = arith.constant 12 : i32
        %shift_right_arithmetic3A_173 = arith.shrsi %add3A_171, %shift_right_arithmetic3A_172 : i32
        %mul3A_174 = arith.constant 64 : i32
        %mul3A_175 = arith.muli %shift_right_arithmetic3A_173, %mul3A_174 : i32
        %add3A_176 = arith.addi %mul3A_175, %add3A_18 : i32
        %and3A_177 = arith.constant 4095 : i32
        %and3A_178 = arith.andi %add3A_171, %and3A_177 : i32
        %multiple_of3A_179 = tpu.assume_multiple %and3A_178, 2048 : i32
        %dma_start3A_180 = tpu.memref_slice %arg4[%add3A_176, %multiple_of3A_179] : memref<12800x4096xf32, #tpu.memory_space<hbm>> -> memref<1x2048xf32, #tpu.memory_space<hbm>>
        %dma_start3A_181 = tpu.memref_squeeze %dma_start3A_180 : memref<1x2048xf32, #tpu.memory_space<hbm>> -> memref<2048xf32, #tpu.memory_space<hbm>>
        %dma_start3A_182 = tpu.memref_slice %arg4[%add3A_176, %multiple_of3A_179] : memref<12800x4096xf32, #tpu.memory_space<hbm>> -> memref<1x2048xf32, #tpu.memory_space<hbm>>
        %dma_start3A_183 = tpu.memref_squeeze %dma_start3A_182 : memref<1x2048xf32, #tpu.memory_space<hbm>> -> memref<2048xf32, #tpu.memory_space<hbm>>
        tpu.enqueue_dma source(%arg7 : memref<2048xf32, #tpu.memory_space<vmem>>) target(%dma_start3A_183 : memref<2048xf32, #tpu.memory_space<hbm>>) target_semaphore(%arg16 : memref<!tpu.dma_semaphore, #tpu.memory_space<semaphore_mem>>)
        %add3A_184 = arith.constant 2 : i32
        %add3A_185 = arith.addi %add3A_133, %add3A_184 : i32
        %mul3A_186 = arith.constant 2048 : i32
        %mul3A_187 = arith.muli %add3A_185, %mul3A_186 : i32
        %multiple_of3A_188 = tpu.assume_multiple %mul3A_187, 2048 : i32
        %dma_wait3A_189 = tpu.memref_slice %arg5[%multiple_of3A_188] : memref<51200xi32, #tpu.memory_space<vmem>> -> memref<2048xi32, #tpu.memory_space<vmem>>
        %dma_wait3A_190 = arith.constant 0 : i32
        %dma_wait3A_191 = tpu.memref_slice %arg10[%dma_wait3A_190] : memref<1000000xf32, #tpu.memory_space<vmem_shared>> -> memref<1000000xf32, #tpu.memory_space<vmem_shared>>
        tpu.wait_indirect_dma semaphore(%arg13 : memref<!tpu.dma_semaphore, #tpu.memory_space<semaphore_mem>>) src(%dma_wait3A_191 : memref<1000000xf32, #tpu.memory_space<vmem_shared>>) dst(%arg8 : memref<2048xf32, #tpu.memory_space<vmem>>)
        %add3A_192 = arith.constant 2 : i32
        %add3A_193 = arith.addi %add3A_133, %add3A_192 : i32
        %mul3A_194 = arith.constant 2048 : i32
        %mul3A_195 = arith.muli %add3A_193, %mul3A_194 : i32
        %add3A_196 = arith.addi %multiple_of3A, %mul3A_195 : i32
        %shift_right_arithmetic3A_197 = arith.constant 12 : i32
        %shift_right_arithmetic3A_198 = arith.shrsi %add3A_196, %shift_right_arithmetic3A_197 : i32
        %mul3A_199 = arith.constant 64 : i32
        %mul3A_200 = arith.muli %shift_right_arithmetic3A_198, %mul3A_199 : i32
        %add3A_201 = arith.addi %mul3A_200, %add3A_18 : i32
        %and3A_202 = arith.constant 4095 : i32
        %and3A_203 = arith.andi %add3A_196, %and3A_202 : i32
        %multiple_of3A_204 = tpu.assume_multiple %and3A_203, 2048 : i32
        %dma_start3A_205 = tpu.memref_slice %arg4[%add3A_201, %multiple_of3A_204] : memref<12800x4096xf32, #tpu.memory_space<hbm>> -> memref<1x2048xf32, #tpu.memory_space<hbm>>
        %dma_start3A_206 = tpu.memref_squeeze %dma_start3A_205 : memref<1x2048xf32, #tpu.memory_space<hbm>> -> memref<2048xf32, #tpu.memory_space<hbm>>
        %dma_start3A_207 = tpu.memref_slice %arg4[%add3A_201, %multiple_of3A_204] : memref<12800x4096xf32, #tpu.memory_space<hbm>> -> memref<1x2048xf32, #tpu.memory_space<hbm>>
        %dma_start3A_208 = tpu.memref_squeeze %dma_start3A_207 : memref<1x2048xf32, #tpu.memory_space<hbm>> -> memref<2048xf32, #tpu.memory_space<hbm>>
        tpu.enqueue_dma source(%arg8 : memref<2048xf32, #tpu.memory_space<vmem>>) target(%dma_start3A_208 : memref<2048xf32, #tpu.memory_space<hbm>>) target_semaphore(%arg17 : memref<!tpu.dma_semaphore, #tpu.memory_space<semaphore_mem>>)
        %add3A_209 = arith.constant 3 : i32
        %add3A_210 = arith.addi %add3A_133, %add3A_209 : i32
        %mul3A_211 = arith.constant 2048 : i32
        %mul3A_212 = arith.muli %add3A_210, %mul3A_211 : i32
        %multiple_of3A_213 = tpu.assume_multiple %mul3A_212, 2048 : i32
        %dma_wait3A_214 = tpu.memref_slice %arg5[%multiple_of3A_213] : memref<51200xi32, #tpu.memory_space<vmem>> -> memref<2048xi32, #tpu.memory_space<vmem>>
        %dma_wait3A_215 = arith.constant 0 : i32
        %dma_wait3A_216 = tpu.memref_slice %arg10[%dma_wait3A_215] : memref<1000000xf32, #tpu.memory_space<vmem_shared>> -> memref<1000000xf32, #tpu.memory_space<vmem_shared>>
        tpu.wait_indirect_dma semaphore(%arg14 : memref<!tpu.dma_semaphore, #tpu.memory_space<semaphore_mem>>) src(%dma_wait3A_216 : memref<1000000xf32, #tpu.memory_space<vmem_shared>>) dst(%arg9 : memref<2048xf32, #tpu.memory_space<vmem>>)
        %add3A_217 = arith.constant 3 : i32
        %add3A_218 = arith.addi %add3A_133, %add3A_217 : i32
        %mul3A_219 = arith.constant 2048 : i32
        %mul3A_220 = arith.muli %add3A_218, %mul3A_219 : i32
        %add3A_221 = arith.addi %multiple_of3A, %mul3A_220 : i32
        %shift_right_arithmetic3A_222 = arith.constant 12 : i32
        %shift_right_arithmetic3A_223 = arith.shrsi %add3A_221, %shift_right_arithmetic3A_222 : i32
        %mul3A_224 = arith.constant 64 : i32
        %mul3A_225 = arith.muli %shift_right_arithmetic3A_223, %mul3A_224 : i32
        %add3A_226 = arith.addi %mul3A_225, %add3A_18 : i32
        %and3A_227 = arith.constant 4095 : i32
        %and3A_228 = arith.andi %add3A_221, %and3A_227 : i32
        %multiple_of3A_229 = tpu.assume_multiple %and3A_228, 2048 : i32
        %dma_start3A_230 = tpu.memref_slice %arg4[%add3A_226, %multiple_of3A_229] : memref<12800x4096xf32, #tpu.memory_space<hbm>> -> memref<1x2048xf32, #tpu.memory_space<hbm>>
        %dma_start3A_231 = tpu.memref_squeeze %dma_start3A_230 : memref<1x2048xf32, #tpu.memory_space<hbm>> -> memref<2048xf32, #tpu.memory_space<hbm>>
        %dma_start3A_232 = tpu.memref_slice %arg4[%add3A_226, %multiple_of3A_229] : memref<12800x4096xf32, #tpu.memory_space<hbm>> -> memref<1x2048xf32, #tpu.memory_space<hbm>>
        %dma_start3A_233 = tpu.memref_squeeze %dma_start3A_232 : memref<1x2048xf32, #tpu.memory_space<hbm>> -> memref<2048xf32, #tpu.memory_space<hbm>>
        tpu.enqueue_dma source(%arg9 : memref<2048xf32, #tpu.memory_space<vmem>>) target(%dma_start3A_233 : memref<2048xf32, #tpu.memory_space<hbm>>) target_semaphore(%arg18 : memref<!tpu.dma_semaphore, #tpu.memory_space<semaphore_mem>>)
        %add3A_234 = arith.constant 4 : i32
        %add3A_235 = arith.addi %add3A_133, %add3A_234 : i32
        %add3A_236 = arith.constant 0 : i32
        %add3A_237 = arith.addi %add3A_235, %add3A_236 : i32
        %lt3A_238 = arith.constant 25 : i32
        %lt3A_239 = arith.cmpi slt, %add3A_237, %lt3A_238 : i32
        %convert_element_type3A_240 = arith.extui %lt3A_239 : i1 to i32
        %cond3A_241 = arith.constant 0 : i32
        %cond3A_242 = arith.cmpi ne, %convert_element_type3A_240, %cond3A_241 : i32
        scf.if %cond3A_242 {
          %add3A_270 = arith.constant 0 : i32
          %add3A_271 = arith.addi %add3A_133, %add3A_270 : i32
          %mul3A_272 = arith.constant 2048 : i32
          %mul3A_273 = arith.muli %add3A_271, %mul3A_272 : i32
          %add3A_274 = arith.addi %multiple_of3A, %mul3A_273 : i32
          %shift_right_arithmetic3A_275 = arith.constant 12 : i32
          %shift_right_arithmetic3A_276 = arith.shrsi %add3A_274, %shift_right_arithmetic3A_275 : i32
          %mul3A_277 = arith.constant 64 : i32
          %mul3A_278 = arith.muli %shift_right_arithmetic3A_276, %mul3A_277 : i32
          %add3A_279 = arith.addi %mul3A_278, %add3A_18 : i32
          %and3A_280 = arith.constant 4095 : i32
          %and3A_281 = arith.andi %add3A_274, %and3A_280 : i32
          %multiple_of3A_282 = tpu.assume_multiple %and3A_281, 2048 : i32
          %dma_wait3A_283 = tpu.memref_slice %arg4[%add3A_279, %multiple_of3A_282] : memref<12800x4096xf32, #tpu.memory_space<hbm>> -> memref<1x2048xf32, #tpu.memory_space<hbm>>
          %dma_wait3A_284 = tpu.memref_squeeze %dma_wait3A_283 : memref<1x2048xf32, #tpu.memory_space<hbm>> -> memref<2048xf32, #tpu.memory_space<hbm>>
          %dma_wait3A_285 = tpu.memref_slice %arg4[%add3A_279, %multiple_of3A_282] : memref<12800x4096xf32, #tpu.memory_space<hbm>> -> memref<1x2048xf32, #tpu.memory_space<hbm>>
          %dma_wait3A_286 = tpu.memref_squeeze %dma_wait3A_285 : memref<1x2048xf32, #tpu.memory_space<hbm>> -> memref<2048xf32, #tpu.memory_space<hbm>>
          tpu.wait_dma2 semaphore(%arg15 : memref<!tpu.dma_semaphore, #tpu.memory_space<semaphore_mem>>) src(%arg6 : memref<2048xf32, #tpu.memory_space<vmem>>) dst(%dma_wait3A_286 : memref<2048xf32, #tpu.memory_space<hbm>>)
          %add3A_287 = arith.constant 4 : i32
          %add3A_288 = arith.addi %add3A_133, %add3A_287 : i32
          %add3A_289 = arith.constant 0 : i32
          %add3A_290 = arith.addi %add3A_288, %add3A_289 : i32
          %mul3A_291 = arith.constant 2048 : i32
          %mul3A_292 = arith.muli %add3A_290, %mul3A_291 : i32
          %multiple_of3A_293 = tpu.assume_multiple %mul3A_292, 2048 : i32
          %dma_start3A_294 = tpu.memref_slice %arg5[%multiple_of3A_293] : memref<51200xi32, #tpu.memory_space<vmem>> -> memref<2048xi32, #tpu.memory_space<vmem>>
          %dma_start3A_295 = arith.constant 0 : i32
          %dma_start3A_296 = tpu.memref_slice %arg10[%dma_start3A_295] : memref<1000000xf32, #tpu.memory_space<vmem_shared>> -> memref<1000000xf32, #tpu.memory_space<vmem_shared>>
          tpu.enqueue_indirect_dma source(%dma_start3A_296 : memref<1000000xf32, #tpu.memory_space<vmem_shared>>) target(%arg6 : memref<2048xf32, #tpu.memory_space<vmem>>) offsets(%dma_start3A_294 : memref<2048xi32, #tpu.memory_space<vmem>>) semaphore(%arg11 : memref<!tpu.dma_semaphore, #tpu.memory_space<semaphore_mem>>)
        } else {
        }
        %add3A_243 = arith.constant 4 : i32
        %add3A_244 = arith.addi %add3A_133, %add3A_243 : i32
        %add3A_245 = arith.constant 1 : i32
        %add3A_246 = arith.addi %add3A_244, %add3A_245 : i32
        %lt3A_247 = arith.constant 25 : i32
        %lt3A_248 = arith.cmpi slt, %add3A_246, %lt3A_247 : i32
        %convert_element_type3A_249 = arith.extui %lt3A_248 : i1 to i32
        %cond3A_250 = arith.constant 0 : i32
        %cond3A_251 = arith.cmpi ne, %convert_element_type3A_249, %cond3A_250 : i32
        scf.if %cond3A_251 {
          %add3A_270 = arith.constant 1 : i32
          %add3A_271 = arith.addi %add3A_133, %add3A_270 : i32
          %mul3A_272 = arith.constant 2048 : i32
          %mul3A_273 = arith.muli %add3A_271, %mul3A_272 : i32
          %add3A_274 = arith.addi %multiple_of3A, %mul3A_273 : i32
          %shift_right_arithmetic3A_275 = arith.constant 12 : i32
          %shift_right_arithmetic3A_276 = arith.shrsi %add3A_274, %shift_right_arithmetic3A_275 : i32
          %mul3A_277 = arith.constant 64 : i32
          %mul3A_278 = arith.muli %shift_right_arithmetic3A_276, %mul3A_277 : i32
          %add3A_279 = arith.addi %mul3A_278, %add3A_18 : i32
          %and3A_280 = arith.constant 4095 : i32
          %and3A_281 = arith.andi %add3A_274, %and3A_280 : i32
          %multiple_of3A_282 = tpu.assume_multiple %and3A_281, 2048 : i32
          %dma_wait3A_283 = tpu.memref_slice %arg4[%add3A_279, %multiple_of3A_282] : memref<12800x4096xf32, #tpu.memory_space<hbm>> -> memref<1x2048xf32, #tpu.memory_space<hbm>>
          %dma_wait3A_284 = tpu.memref_squeeze %dma_wait3A_283 : memref<1x2048xf32, #tpu.memory_space<hbm>> -> memref<2048xf32, #tpu.memory_space<hbm>>
          %dma_wait3A_285 = tpu.memref_slice %arg4[%add3A_279, %multiple_of3A_282] : memref<12800x4096xf32, #tpu.memory_space<hbm>> -> memref<1x2048xf32, #tpu.memory_space<hbm>>
          %dma_wait3A_286 = tpu.memref_squeeze %dma_wait3A_285 : memref<1x2048xf32, #tpu.memory_space<hbm>> -> memref<2048xf32, #tpu.memory_space<hbm>>
          tpu.wait_dma2 semaphore(%arg16 : memref<!tpu.dma_semaphore, #tpu.memory_space<semaphore_mem>>) src(%arg7 : memref<2048xf32, #tpu.memory_space<vmem>>) dst(%dma_wait3A_286 : memref<2048xf32, #tpu.memory_space<hbm>>)
          %add3A_287 = arith.constant 4 : i32
          %add3A_288 = arith.addi %add3A_133, %add3A_287 : i32
          %add3A_289 = arith.constant 1 : i32
          %add3A_290 = arith.addi %add3A_288, %add3A_289 : i32
          %mul3A_291 = arith.constant 2048 : i32
          %mul3A_292 = arith.muli %add3A_290, %mul3A_291 : i32
          %multiple_of3A_293 = tpu.assume_multiple %mul3A_292, 2048 : i32
          %dma_start3A_294 = tpu.memref_slice %arg5[%multiple_of3A_293] : memref<51200xi32, #tpu.memory_space<vmem>> -> memref<2048xi32, #tpu.memory_space<vmem>>
          %dma_start3A_295 = arith.constant 0 : i32
          %dma_start3A_296 = tpu.memref_slice %arg10[%dma_start3A_295] : memref<1000000xf32, #tpu.memory_space<vmem_shared>> -> memref<1000000xf32, #tpu.memory_space<vmem_shared>>
          tpu.enqueue_indirect_dma source(%dma_start3A_296 : memref<1000000xf32, #tpu.memory_space<vmem_shared>>) target(%arg7 : memref<2048xf32, #tpu.memory_space<vmem>>) offsets(%dma_start3A_294 : memref<2048xi32, #tpu.memory_space<vmem>>) semaphore(%arg12 : memref<!tpu.dma_semaphore, #tpu.memory_space<semaphore_mem>>)
        } else {
        }
        %add3A_252 = arith.constant 4 : i32
        %add3A_253 = arith.addi %add3A_133, %add3A_252 : i32
        %add3A_254 = arith.constant 2 : i32
        %add3A_255 = arith.addi %add3A_253, %add3A_254 : i32
        %lt3A_256 = arith.constant 25 : i32
        %lt3A_257 = arith.cmpi slt, %add3A_255, %lt3A_256 : i32
        %convert_element_type3A_258 = arith.extui %lt3A_257 : i1 to i32
        %cond3A_259 = arith.constant 0 : i32
        %cond3A_260 = arith.cmpi ne, %convert_element_type3A_258, %cond3A_259 : i32
        scf.if %cond3A_260 {
          %add3A_270 = arith.constant 2 : i32
          %add3A_271 = arith.addi %add3A_133, %add3A_270 : i32
          %mul3A_272 = arith.constant 2048 : i32
          %mul3A_273 = arith.muli %add3A_271, %mul3A_272 : i32
          %add3A_274 = arith.addi %multiple_of3A, %mul3A_273 : i32
          %shift_right_arithmetic3A_275 = arith.constant 12 : i32
          %shift_right_arithmetic3A_276 = arith.shrsi %add3A_274, %shift_right_arithmetic3A_275 : i32
          %mul3A_277 = arith.constant 64 : i32
          %mul3A_278 = arith.muli %shift_right_arithmetic3A_276, %mul3A_277 : i32
          %add3A_279 = arith.addi %mul3A_278, %add3A_18 : i32
          %and3A_280 = arith.constant 4095 : i32
          %and3A_281 = arith.andi %add3A_274, %and3A_280 : i32
          %multiple_of3A_282 = tpu.assume_multiple %and3A_281, 2048 : i32
          %dma_wait3A_283 = tpu.memref_slice %arg4[%add3A_279, %multiple_of3A_282] : memref<12800x4096xf32, #tpu.memory_space<hbm>> -> memref<1x2048xf32, #tpu.memory_space<hbm>>
          %dma_wait3A_284 = tpu.memref_squeeze %dma_wait3A_283 : memref<1x2048xf32, #tpu.memory_space<hbm>> -> memref<2048xf32, #tpu.memory_space<hbm>>
          %dma_wait3A_285 = tpu.memref_slice %arg4[%add3A_279, %multiple_of3A_282] : memref<12800x4096xf32, #tpu.memory_space<hbm>> -> memref<1x2048xf32, #tpu.memory_space<hbm>>
          %dma_wait3A_286 = tpu.memref_squeeze %dma_wait3A_285 : memref<1x2048xf32, #tpu.memory_space<hbm>> -> memref<2048xf32, #tpu.memory_space<hbm>>
          tpu.wait_dma2 semaphore(%arg17 : memref<!tpu.dma_semaphore, #tpu.memory_space<semaphore_mem>>) src(%arg8 : memref<2048xf32, #tpu.memory_space<vmem>>) dst(%dma_wait3A_286 : memref<2048xf32, #tpu.memory_space<hbm>>)
          %add3A_287 = arith.constant 4 : i32
          %add3A_288 = arith.addi %add3A_133, %add3A_287 : i32
          %add3A_289 = arith.constant 2 : i32
          %add3A_290 = arith.addi %add3A_288, %add3A_289 : i32
          %mul3A_291 = arith.constant 2048 : i32
          %mul3A_292 = arith.muli %add3A_290, %mul3A_291 : i32
          %multiple_of3A_293 = tpu.assume_multiple %mul3A_292, 2048 : i32
          %dma_start3A_294 = tpu.memref_slice %arg5[%multiple_of3A_293] : memref<51200xi32, #tpu.memory_space<vmem>> -> memref<2048xi32, #tpu.memory_space<vmem>>
          %dma_start3A_295 = arith.constant 0 : i32
          %dma_start3A_296 = tpu.memref_slice %arg10[%dma_start3A_295] : memref<1000000xf32, #tpu.memory_space<vmem_shared>> -> memref<1000000xf32, #tpu.memory_space<vmem_shared>>
          tpu.enqueue_indirect_dma source(%dma_start3A_296 : memref<1000000xf32, #tpu.memory_space<vmem_shared>>) target(%arg8 : memref<2048xf32, #tpu.memory_space<vmem>>) offsets(%dma_start3A_294 : memref<2048xi32, #tpu.memory_space<vmem>>) semaphore(%arg13 : memref<!tpu.dma_semaphore, #tpu.memory_space<semaphore_mem>>)
        } else {
        }
        %add3A_261 = arith.constant 4 : i32
        %add3A_262 = arith.addi %add3A_133, %add3A_261 : i32
        %add3A_263 = arith.constant 3 : i32
        %add3A_264 = arith.addi %add3A_262, %add3A_263 : i32
        %lt3A_265 = arith.constant 25 : i32
        %lt3A_266 = arith.cmpi slt, %add3A_264, %lt3A_265 : i32
        %convert_element_type3A_267 = arith.extui %lt3A_266 : i1 to i32
        %cond3A_268 = arith.constant 0 : i32
        %cond3A_269 = arith.cmpi ne, %convert_element_type3A_267, %cond3A_268 : i32
        scf.if %cond3A_269 {
          %add3A_270 = arith.constant 3 : i32
          %add3A_271 = arith.addi %add3A_133, %add3A_270 : i32
          %mul3A_272 = arith.constant 2048 : i32
          %mul3A_273 = arith.muli %add3A_271, %mul3A_272 : i32
          %add3A_274 = arith.addi %multiple_of3A, %mul3A_273 : i32
          %shift_right_arithmetic3A_275 = arith.constant 12 : i32
          %shift_right_arithmetic3A_276 = arith.shrsi %add3A_274, %shift_right_arithmetic3A_275 : i32
          %mul3A_277 = arith.constant 64 : i32
          %mul3A_278 = arith.muli %shift_right_arithmetic3A_276, %mul3A_277 : i32
          %add3A_279 = arith.addi %mul3A_278, %add3A_18 : i32
          %and3A_280 = arith.constant 4095 : i32
          %and3A_281 = arith.andi %add3A_274, %and3A_280 : i32
          %multiple_of3A_282 = tpu.assume_multiple %and3A_281, 2048 : i32
          %dma_wait3A_283 = tpu.memref_slice %arg4[%add3A_279, %multiple_of3A_282] : memref<12800x4096xf32, #tpu.memory_space<hbm>> -> memref<1x2048xf32, #tpu.memory_space<hbm>>
          %dma_wait3A_284 = tpu.memref_squeeze %dma_wait3A_283 : memref<1x2048xf32, #tpu.memory_space<hbm>> -> memref<2048xf32, #tpu.memory_space<hbm>>
          %dma_wait3A_285 = tpu.memref_slice %arg4[%add3A_279, %multiple_of3A_282] : memref<12800x4096xf32, #tpu.memory_space<hbm>> -> memref<1x2048xf32, #tpu.memory_space<hbm>>
          %dma_wait3A_286 = tpu.memref_squeeze %dma_wait3A_285 : memref<1x2048xf32, #tpu.memory_space<hbm>> -> memref<2048xf32, #tpu.memory_space<hbm>>
          tpu.wait_dma2 semaphore(%arg18 : memref<!tpu.dma_semaphore, #tpu.memory_space<semaphore_mem>>) src(%arg9 : memref<2048xf32, #tpu.memory_space<vmem>>) dst(%dma_wait3A_286 : memref<2048xf32, #tpu.memory_space<hbm>>)
          %add3A_287 = arith.constant 4 : i32
          %add3A_288 = arith.addi %add3A_133, %add3A_287 : i32
          %add3A_289 = arith.constant 3 : i32
          %add3A_290 = arith.addi %add3A_288, %add3A_289 : i32
          %mul3A_291 = arith.constant 2048 : i32
          %mul3A_292 = arith.muli %add3A_290, %mul3A_291 : i32
          %multiple_of3A_293 = tpu.assume_multiple %mul3A_292, 2048 : i32
          %dma_start3A_294 = tpu.memref_slice %arg5[%multiple_of3A_293] : memref<51200xi32, #tpu.memory_space<vmem>> -> memref<2048xi32, #tpu.memory_space<vmem>>
          %dma_start3A_295 = arith.constant 0 : i32
          %dma_start3A_296 = tpu.memref_slice %arg10[%dma_start3A_295] : memref<1000000xf32, #tpu.memory_space<vmem_shared>> -> memref<1000000xf32, #tpu.memory_space<vmem_shared>>
          tpu.enqueue_indirect_dma source(%dma_start3A_296 : memref<1000000xf32, #tpu.memory_space<vmem_shared>>) target(%arg9 : memref<2048xf32, #tpu.memory_space<vmem>>) offsets(%dma_start3A_294 : memref<2048xi32, #tpu.memory_space<vmem>>) semaphore(%arg14 : memref<!tpu.dma_semaphore, #tpu.memory_space<semaphore_mem>>)
        } else {
        }
      }
      %scan3A_42 = arith.constant 6 : i32
      %multiple_of3A_43 = arith.constant 49152 : i32
      %multiple_of3A_44 = tpu.assume_multiple %multiple_of3A_43, 2048 : i32
      %dma_wait3A = tpu.memref_slice %arg5[%multiple_of3A_44] : memref<51200xi32, #tpu.memory_space<vmem>> -> memref<2048xi32, #tpu.memory_space<vmem>>
      %dma_wait3A_45 = arith.constant 0 : i32
      %dma_wait3A_46 = tpu.memref_slice %arg10[%dma_wait3A_45] : memref<1000000xf32, #tpu.memory_space<vmem_shared>> -> memref<1000000xf32, #tpu.memory_space<vmem_shared>>
      tpu.wait_indirect_dma semaphore(%arg11 : memref<!tpu.dma_semaphore, #tpu.memory_space<semaphore_mem>>) src(%dma_wait3A_46 : memref<1000000xf32, #tpu.memory_space<vmem_shared>>) dst(%arg6 : memref<2048xf32, #tpu.memory_space<vmem>>)
      %barrier3A_47 = arith.constant 0 : index
      tpu.barrier barrier_id(%barrier3A_47)
      %add3A_48 = arith.constant 1 : i32
      %add3A_49 = arith.addi %add3A_17, %add3A_48 : i32
      %lt3A = arith.constant 32 : i32
      %lt3A_50 = arith.cmpi slt, %add3A_49, %lt3A : i32
      %convert_element_type3A_51 = arith.extui %lt3A_50 : i1 to i32
      %cond3A_52 = arith.constant 0 : i32
      %cond3A_53 = arith.cmpi ne, %convert_element_type3A_51, %cond3A_52 : i32
      scf.if %cond3A_53 {
        %add3A_129 = arith.constant 1 : i32
        %add3A_130 = arith.addi %add3A_17, %add3A_129 : i32
        %eq3A_131 = arith.constant 0 : i32
        %eq3A_132 = arith.cmpi eq, %arg1, %eq3A_131 : i32
        %convert_element_type3A_133 = arith.extui %eq3A_132 : i1 to i32
        %cond3A_134 = arith.constant 0 : i32
        %cond3A_135 = arith.cmpi ne, %convert_element_type3A_133, %cond3A_134 : i32
        scf.if %cond3A_135 {
          %add3A_136 = arith.addi %mul3A_2, %add3A_130 : i32
          %dma_start3A_137 = arith.constant 0 : i32
          %dma_start3A_138 = tpu.memref_slice %arg3[%add3A_136, %dma_start3A_137] : memref<64x1000000xf32, #tpu.memory_space<hbm>> -> memref<1x1000000xf32, #tpu.memory_space<hbm>>
          %dma_start3A_139 = tpu.memref_squeeze %dma_start3A_138 : memref<1x1000000xf32, #tpu.memory_space<hbm>> -> memref<1000000xf32, #tpu.memory_space<hbm>>
          tpu.enqueue_dma source(%dma_start3A_139 : memref<1000000xf32, #tpu.memory_space<hbm>>) target(%arg10 : memref<1000000xf32, #tpu.memory_space<vmem_shared>>) target_semaphore(%arg19 : memref<!tpu.dma_semaphore, #tpu.memory_space<semaphore_mem>>)
        } else {
        }
      } else {
      }
      %add3A_54 = arith.constant 49152 : i32
      %add3A_55 = arith.addi %multiple_of3A, %add3A_54 : i32
      %shift_right_arithmetic3A = arith.constant 12 : i32
      %shift_right_arithmetic3A_56 = arith.shrsi %add3A_55, %shift_right_arithmetic3A : i32
      %mul3A_57 = arith.constant 64 : i32
      %mul3A_58 = arith.muli %shift_right_arithmetic3A_56, %mul3A_57 : i32
      %add3A_59 = arith.addi %mul3A_58, %add3A_18 : i32
      %and3A = arith.constant 4095 : i32
      %and3A_60 = arith.andi %add3A_55, %and3A : i32
      %multiple_of3A_61 = tpu.assume_multiple %and3A_60, 2048 : i32
      %dma_start3A_62 = tpu.memref_slice %arg4[%add3A_59, %multiple_of3A_61] : memref<12800x4096xf32, #tpu.memory_space<hbm>> -> memref<1x2048xf32, #tpu.memory_space<hbm>>
      %dma_start3A_63 = tpu.memref_squeeze %dma_start3A_62 : memref<1x2048xf32, #tpu.memory_space<hbm>> -> memref<2048xf32, #tpu.memory_space<hbm>>
      %dma_start3A_64 = tpu.memref_slice %arg4[%add3A_59, %multiple_of3A_61] : memref<12800x4096xf32, #tpu.memory_space<hbm>> -> memref<1x2048xf32, #tpu.memory_space<hbm>>
      %dma_start3A_65 = tpu.memref_squeeze %dma_start3A_64 : memref<1x2048xf32, #tpu.memory_space<hbm>> -> memref<2048xf32, #tpu.memory_space<hbm>>
      tpu.enqueue_dma source(%arg6 : memref<2048xf32, #tpu.memory_space<vmem>>) target(%dma_start3A_65 : memref<2048xf32, #tpu.memory_space<hbm>>) target_semaphore(%arg15 : memref<!tpu.dma_semaphore, #tpu.memory_space<semaphore_mem>>)
      %add3A_66 = arith.constant 43008 : i32
      %add3A_67 = arith.addi %multiple_of3A, %add3A_66 : i32
      %shift_right_arithmetic3A_68 = arith.constant 12 : i32
      %shift_right_arithmetic3A_69 = arith.shrsi %add3A_67, %shift_right_arithmetic3A_68 : i32
      %mul3A_70 = arith.constant 64 : i32
      %mul3A_71 = arith.muli %shift_right_arithmetic3A_69, %mul3A_70 : i32
      %add3A_72 = arith.addi %mul3A_71, %add3A_18 : i32
      %and3A_73 = arith.constant 4095 : i32
      %and3A_74 = arith.andi %add3A_67, %and3A_73 : i32
      %multiple_of3A_75 = tpu.assume_multiple %and3A_74, 2048 : i32
      %dma_wait3A_76 = tpu.memref_slice %arg4[%add3A_72, %multiple_of3A_75] : memref<12800x4096xf32, #tpu.memory_space<hbm>> -> memref<1x2048xf32, #tpu.memory_space<hbm>>
      %dma_wait3A_77 = tpu.memref_squeeze %dma_wait3A_76 : memref<1x2048xf32, #tpu.memory_space<hbm>> -> memref<2048xf32, #tpu.memory_space<hbm>>
      %dma_wait3A_78 = tpu.memref_slice %arg4[%add3A_72, %multiple_of3A_75] : memref<12800x4096xf32, #tpu.memory_space<hbm>> -> memref<1x2048xf32, #tpu.memory_space<hbm>>
      %dma_wait3A_79 = tpu.memref_squeeze %dma_wait3A_78 : memref<1x2048xf32, #tpu.memory_space<hbm>> -> memref<2048xf32, #tpu.memory_space<hbm>>
      tpu.wait_dma2 semaphore(%arg16 : memref<!tpu.dma_semaphore, #tpu.memory_space<semaphore_mem>>) src(%arg7 : memref<2048xf32, #tpu.memory_space<vmem>>) dst(%dma_wait3A_79 : memref<2048xf32, #tpu.memory_space<hbm>>)
      %add3A_80 = arith.constant 45056 : i32
      %add3A_81 = arith.addi %multiple_of3A, %add3A_80 : i32
      %shift_right_arithmetic3A_82 = arith.constant 12 : i32
      %shift_right_arithmetic3A_83 = arith.shrsi %add3A_81, %shift_right_arithmetic3A_82 : i32
      %mul3A_84 = arith.constant 64 : i32
      %mul3A_85 = arith.muli %shift_right_arithmetic3A_83, %mul3A_84 : i32
      %add3A_86 = arith.addi %mul3A_85, %add3A_18 : i32
      %and3A_87 = arith.constant 4095 : i32
      %and3A_88 = arith.andi %add3A_81, %and3A_87 : i32
      %multiple_of3A_89 = tpu.assume_multiple %and3A_88, 2048 : i32
      %dma_wait3A_90 = tpu.memref_slice %arg4[%add3A_86, %multiple_of3A_89] : memref<12800x4096xf32, #tpu.memory_space<hbm>> -> memref<1x2048xf32, #tpu.memory_space<hbm>>
      %dma_wait3A_91 = tpu.memref_squeeze %dma_wait3A_90 : memref<1x2048xf32, #tpu.memory_space<hbm>> -> memref<2048xf32, #tpu.memory_space<hbm>>
      %dma_wait3A_92 = tpu.memref_slice %arg4[%add3A_86, %multiple_of3A_89] : memref<12800x4096xf32, #tpu.memory_space<hbm>> -> memref<1x2048xf32, #tpu.memory_space<hbm>>
      %dma_wait3A_93 = tpu.memref_squeeze %dma_wait3A_92 : memref<1x2048xf32, #tpu.memory_space<hbm>> -> memref<2048xf32, #tpu.memory_space<hbm>>
      tpu.wait_dma2 semaphore(%arg17 : memref<!tpu.dma_semaphore, #tpu.memory_space<semaphore_mem>>) src(%arg8 : memref<2048xf32, #tpu.memory_space<vmem>>) dst(%dma_wait3A_93 : memref<2048xf32, #tpu.memory_space<hbm>>)
      %add3A_94 = arith.constant 47104 : i32
      %add3A_95 = arith.addi %multiple_of3A, %add3A_94 : i32
      %shift_right_arithmetic3A_96 = arith.constant 12 : i32
      %shift_right_arithmetic3A_97 = arith.shrsi %add3A_95, %shift_right_arithmetic3A_96 : i32
      %mul3A_98 = arith.constant 64 : i32
      %mul3A_99 = arith.muli %shift_right_arithmetic3A_97, %mul3A_98 : i32
      %add3A_100 = arith.addi %mul3A_99, %add3A_18 : i32
      %and3A_101 = arith.constant 4095 : i32
      %and3A_102 = arith.andi %add3A_95, %and3A_101 : i32
      %multiple_of3A_103 = tpu.assume_multiple %and3A_102, 2048 : i32
      %dma_wait3A_104 = tpu.memref_slice %arg4[%add3A_100, %multiple_of3A_103] : memref<12800x4096xf32, #tpu.memory_space<hbm>> -> memref<1x2048xf32, #tpu.memory_space<hbm>>
      %dma_wait3A_105 = tpu.memref_squeeze %dma_wait3A_104 : memref<1x2048xf32, #tpu.memory_space<hbm>> -> memref<2048xf32, #tpu.memory_space<hbm>>
      %dma_wait3A_106 = tpu.memref_slice %arg4[%add3A_100, %multiple_of3A_103] : memref<12800x4096xf32, #tpu.memory_space<hbm>> -> memref<1x2048xf32, #tpu.memory_space<hbm>>
      %dma_wait3A_107 = tpu.memref_squeeze %dma_wait3A_106 : memref<1x2048xf32, #tpu.memory_space<hbm>> -> memref<2048xf32, #tpu.memory_space<hbm>>
      tpu.wait_dma2 semaphore(%arg18 : memref<!tpu.dma_semaphore, #tpu.memory_space<semaphore_mem>>) src(%arg9 : memref<2048xf32, #tpu.memory_space<vmem>>) dst(%dma_wait3A_107 : memref<2048xf32, #tpu.memory_space<hbm>>)
      %add3A_108 = arith.constant 49152 : i32
      %add3A_109 = arith.addi %multiple_of3A, %add3A_108 : i32
      %shift_right_arithmetic3A_110 = arith.constant 12 : i32
      %shift_right_arithmetic3A_111 = arith.shrsi %add3A_109, %shift_right_arithmetic3A_110 : i32
      %mul3A_112 = arith.constant 64 : i32
      %mul3A_113 = arith.muli %shift_right_arithmetic3A_111, %mul3A_112 : i32
      %add3A_114 = arith.addi %mul3A_113, %add3A_18 : i32
      %and3A_115 = arith.constant 4095 : i32
      %and3A_116 = arith.andi %add3A_109, %and3A_115 : i32
      %multiple_of3A_117 = tpu.assume_multiple %and3A_116, 2048 : i32
      %dma_wait3A_118 = tpu.memref_slice %arg4[%add3A_114, %multiple_of3A_117] : memref<12800x4096xf32, #tpu.memory_space<hbm>> -> memref<1x2048xf32, #tpu.memory_space<hbm>>
      %dma_wait3A_119 = tpu.memref_squeeze %dma_wait3A_118 : memref<1x2048xf32, #tpu.memory_space<hbm>> -> memref<2048xf32, #tpu.memory_space<hbm>>
      %dma_wait3A_120 = tpu.memref_slice %arg4[%add3A_114, %multiple_of3A_117] : memref<12800x4096xf32, #tpu.memory_space<hbm>> -> memref<1x2048xf32, #tpu.memory_space<hbm>>
      %dma_wait3A_121 = tpu.memref_squeeze %dma_wait3A_120 : memref<1x2048xf32, #tpu.memory_space<hbm>> -> memref<2048xf32, #tpu.memory_space<hbm>>
      tpu.wait_dma2 semaphore(%arg15 : memref<!tpu.dma_semaphore, #tpu.memory_space<semaphore_mem>>) src(%arg6 : memref<2048xf32, #tpu.memory_space<vmem>>) dst(%dma_wait3A_121 : memref<2048xf32, #tpu.memory_space<hbm>>)
      %add3A_122 = arith.constant 1 : i32
      %add3A_123 = arith.addi %add3A_17, %add3A_122 : i32
      %lt3A_124 = arith.constant 32 : i32
      %lt3A_125 = arith.cmpi slt, %add3A_123, %lt3A_124 : i32
      %convert_element_type3A_126 = arith.extui %lt3A_125 : i1 to i32
      %cond3A_127 = arith.constant 0 : i32
      %cond3A_128 = arith.cmpi ne, %convert_element_type3A_126, %cond3A_127 : i32
      scf.if %cond3A_128 {
        %add3A_129 = arith.constant 1 : i32
        %add3A_130 = arith.addi %add3A_17, %add3A_129 : i32
        %eq3A_131 = arith.constant 0 : i32
        %eq3A_132 = arith.cmpi eq, %arg1, %eq3A_131 : i32
        %convert_element_type3A_133 = arith.extui %eq3A_132 : i1 to i32
        %cond3A_134 = arith.constant 0 : i32
        %cond3A_135 = arith.cmpi ne, %convert_element_type3A_133, %cond3A_134 : i32
        scf.if %cond3A_135 {
          %add3A_136 = arith.addi %mul3A_2, %add3A_130 : i32
          %dma_wait3A_137 = arith.constant 0 : i32
          %dma_wait3A_138 = tpu.memref_slice %arg3[%add3A_136, %dma_wait3A_137] : memref<64x1000000xf32, #tpu.memory_space<hbm>> -> memref<1x1000000xf32, #tpu.memory_space<hbm>>
          %dma_wait3A_139 = tpu.memref_squeeze %dma_wait3A_138 : memref<1x1000000xf32, #tpu.memory_space<hbm>> -> memref<1000000xf32, #tpu.memory_space<hbm>>
          tpu.wait_dma2 semaphore(%arg19 : memref<!tpu.dma_semaphore, #tpu.memory_space<semaphore_mem>>) src(%dma_wait3A_139 : memref<1000000xf32, #tpu.memory_space<hbm>>) dst(%arg10 : memref<1000000xf32, #tpu.memory_space<vmem_shared>>)
        } else {
        }
      } else {
      }
    }
    %scan3A_13 = arith.constant 32 : i32
    return
  }
}

</mosaic_0001>

<sc_bundles>
// kernel: kernel.3.cloned.1.call-start
scs
__scs_entry_jumppad:
0x0: {  	(pc) =	sbr.rel $0x88, $3  }
0x1: {  	(tag) =	ssettag $0x0;
	lr =	simm.s32 $0x1  }
0x2: {  	[smem:$0x3F9F] =	sst lr;
	_ =	strace $0xD0000000  }
0x3: {  	_ = 	snop  }
0x4: {  	_ = 	snop  }
0x5: {  	_ = 	snop  }
0x6: {  	_ = 	snop  }
0x7: {  	_ = 	snop  }
__scs_overlays_trampoline_lowered:
0x8: {  	[smem:$0x3FAE] =	sst s0  }
0x9: {  	[smem:$0x3FAF] =	sst s1  }
0xa: {  	[smem:$0x3FB0] =	sst s2  }
0xb: {  	[smem:$0x3FB1] =	sst s3  }
0xc: {  	[smem:$0x3FB2] =	sst s4  }
0xd: {  	[smem:$0x3FB3] =	sst s5  }
0xe: {  	[smem:$0x3FB4] =	sst s6  }
0xf: {  	[smem:$0x3FB5] =	sst s7  }
0x10: {  	[smem:$0x3FB6] =	sst s8  }
0x11: {  	[smem:$0x3FB7] =	sst s9;
	s0 =	simm.s32 @!p0 $0x0  }
0x12: {  	s1 =	sld [smem:$0x3F9D];
	s0 =	simm.s32 @p0 $0x1  }
0x13: {  	[smem:$0x3FB8] =	sst s0;
	s0 =	simm.s32 @!p1 $0x0  }
0x14: {  	s2 =	sld [smem:$0x3F9C];
	s0 =	simm.s32 @p1 $0x1  }
0x15: {  	[smem:$0x3FB9] =	sst s0;
	s0 =	simm.s32 @!p2 $0x0  }
0x16: {  	s3 =	sld [smem:$0x3FDB];
	s0 =	simm.s32 @p2 $0x1  }
0x17: {  	s4 =	simm.s32 $0x1BF5;
	[smem:$0x3FBB] =	sst s0  }
0x18: {  	s0 =	sld [smem:$0x3F9E];
	_ =	swait.ge [sflag:s4], $0x0  }
0x19: {  	s7 =	sld [smem:$0x3F9F]  }
0x1a: {  	s8 =	sadd.s32 $0xFFFFE003, lr  }
0x1b: {  	s9 =	sadd.s32 $0xFFFFFEF7, lr;
	s5 =	simm.s32 $0xFFFFFFFF;
	p2 =	slt.u32 s8, $0xFFFFF086  }
0x1c: {  	p1 =	slt.u32 s9, $0xF7A;
	s5 =	simm.s32 @!p2 $0x0  }
0x1d: {  	s5 =	simm.s32 @p1 $0x1;
	p0 =	seq.s32 s7, s2  }
0x1e: {  	s7 =	smul.u32 @!p0 $0xF7A, s2;
	p2 =	seq.s32 @!p0 s5, $0x0  }
0x1f: {  	s9 =	smul.u32 $0xF7A, s1;
	s8 =	simm.s32 @!p0 $0x1BF5;
	p2 =	por !p2, p0  }
0x20: {  	[sflag:s8] =	ssyncset.s32 @!p0 $0xFFFFF086;
	s6 =	sadd.s32 @!p0 s3, s7;
	s7 =	simm.s32 @!p0 $0x108  }
0x21: {  	s3 =	sadd.s32 s3, s9;
	s6 =	sadd.s32 @!p0 $0x88, s6;
	s7 =	simm.s32 @p2 $0x1082  }
0x22: {  	[simem:s7], [sflag:s8] =	dma.local @!p0 [hbm:s6], $0xF7A  }
0x23: {  	s9 =	sor.u32 $0xD0000000, s2;
	s6 =	simm.s32 $0x108;
	_ =	swait.ge @!p0 [sflag:s8], $0x0  }
0x24: {  	s3 =	sadd.s32 $0x88, s3;
	s6 =	simm.s32 @!p1 $0x1082;
	[sflag:s4] =	ssyncset.s32 $0xFFFFF086  }
0x25: {  	[simem:s6], [sflag:s4] =	dma.local [hbm:s3], $0xF7A  }
0x26: {  	[smem:$0x3F9F] =	sst s1;
	(tag) =	ssettag s2;
	_ =	strace s9  }
0x27: {  	s1 =	sld [smem:$0x3FAF]  }
0x28: {  	s2 =	sld [smem:$0x3FB0]  }
0x29: {  	s4 =	sld [smem:$0x3FB2]  }
0x2a: {  	p0 =	seq.s32 s5, $0x0;
	s5 =	sld [smem:$0x3FB3]  }
0x2b: {  	s6 =	sld [smem:$0x3FB4]  }
0x2c: {  	s7 =	sld [smem:$0x3FB5]  }
0x2d: {  	s3 =	simm.s32 $0x108;
	s8 =	sld [smem:$0x3FB6]  }
0x2e: {  	s3 =	simm.s32 @!p0 $0x1082;
	s9 =	sld [smem:$0x3FB7]  }
0x2f: {  	lr =	sadd.s32 s0, s3;
	s0 =	sld [smem:$0x3FAE]  }
0x30: {  	s3 =	sld [smem:$0x3FB1]  }
0x31: {  	[smem:$0x3FBA] =	sst s10  }
0x32: {  	s10 =	sld [smem:$0x3FB8];
	_ =	sdelay $0x3  }
0x33: {  	p0 =	seq.s32 s10, $0x1;
	s10 =	sld [smem:$0x3FBA];
	_ =	sdelay $0x3  }
0x34: {  	[smem:$0x3FBA] =	sst s10  }
0x35: {  	s10 =	sld [smem:$0x3FB9];
	_ =	sdelay $0x3  }
0x36: {  	p1 =	seq.s32 s10, $0x1;
	s10 =	sld [smem:$0x3FBA];
	_ =	sdelay $0x3  }
0x37: {  	[smem:$0x3FBA] =	sst s10  }
0x38: {  	s10 =	sld [smem:$0x3FBB]  }
0x39: {  	_ = 	snop;
	(pc) =	sbr.ind lr, $3  }
0x3a: {  	_ = 	snop  }
0x3b: {  	_ = 	snop  }
0x3c: {  	p2 =	seq.s32 s10, $0x1;
	s10 =	sld [smem:$0x3FBA]  }
0x3d: {  	_ =	shalt  }
0x3e: {  	_ =	shalt  }
0x3f: {  	_ =	shalt  }
0x40: {  	_ =	shalt  }
0x41: {  	_ =	shalt  }
0x42: {  	_ =	shalt  }
0x43: {  	_ =	shalt  }
0x44: {  	_ =	shalt  }
0x45: {  	_ =	shalt  }
0x46: {  	_ =	shalt  }
0x47: {  	_ =	shalt  }
0x48: {  	_ =	shalt  }
0x49: {  	_ =	shalt  }
0x4a: {  	_ =	shalt  }
0x4b: {  	_ =	shalt  }
0x4c: {  	_ =	shalt  }
0x4d: {  	_ =	shalt  }
0x4e: {  	_ =	shalt  }
0x4f: {  	_ =	shalt  }
0x50: {  	_ =	shalt  }
0x51: {  	_ =	shalt  }
0x52: {  	_ =	shalt  }
0x53: {  	_ =	shalt  }
0x54: {  	_ =	shalt  }
0x55: {  	_ =	shalt  }
0x56: {  	_ =	shalt  }
0x57: {  	_ =	shalt  }
0x58: {  	_ =	shalt  }
0x59: {  	_ =	shalt  }
0x5a: {  	_ =	shalt  }
0x5b: {  	_ =	shalt  }
0x5c: {  	_ =	shalt  }
0x5d: {  	_ =	shalt  }
0x5e: {  	_ =	shalt  }
0x5f: {  	_ =	shalt  }
0x60: {  	_ =	shalt  }
0x61: {  	_ =	shalt  }
0x62: {  	_ =	shalt  }
0x63: {  	_ =	shalt  }
0x64: {  	_ =	shalt  }
0x65: {  	_ =	shalt  }
0x66: {  	_ =	shalt  }
0x67: {  	_ =	shalt  }
0x68: {  	_ =	shalt  }
0x69: {  	_ =	shalt  }
0x6a: {  	_ =	shalt  }
0x6b: {  	_ =	shalt  }
0x6c: {  	_ =	shalt  }
0x6d: {  	_ =	shalt  }
0x6e: {  	_ =	shalt  }
0x6f: {  	_ =	shalt  }
0x70: {  	_ =	shalt  }
0x71: {  	_ =	shalt  }
0x72: {  	_ =	shalt  }
0x73: {  	_ =	shalt  }
0x74: {  	_ =	shalt  }
0x75: {  	_ =	shalt  }
0x76: {  	_ =	shalt  }
0x77: {  	_ =	shalt  }
0x78: {  	_ =	shalt  }
0x79: {  	_ =	shalt  }
0x7a: {  	_ =	shalt  }
0x7b: {  	_ =	shalt  }
0x7c: {  	_ =	shalt  }
0x7d: {  	_ =	shalt  }
0x7e: {  	_ =	shalt  }
0x7f: {  	_ =	shalt  }
0x80: {  	_ =	shalt  }
0x81: {  	_ =	shalt  }
0x82: {  	_ =	shalt  }
0x83: {  	_ =	shalt  }
0x84: {  	_ =	shalt  }
0x85: {  	_ =	shalt  }
0x86: {  	_ =	shalt  }
0x87: {  	_ =	shalt  }
.Lfunc_end0:
.L_simem_size_0:
called_computation_lowered:
.L_overlay_start_0:
0x88: {  	s2 =	sld [smem:$0x3FD9]  }
0x89: {  	s3 =	sld [smem:$0x3FFE];
	_ =	sdelay $0x1  }
0x8a: {  	s1 =	srdreg.scid  }
0x8b: {  	s0 =	sand.u32 $0x1, s1  }
0x8c: {  	s17 =	sshll.u32 s0, $0xA;
	s2 =	sadd.s32 s3, s2  }
0x8d: {  	s2 =	sadd.s32 s2, s17  }
0x8e: {  	[smem:$0x3FC6] =	sst s2  }
0x8f: {  	_ = 	snop  }
0x90: {  	s2 =	sld [smem:$0x3FC8]  }
0x91: {  	s18 =	sld [smem:$0x3FD0];
	(tm) =	ssettm $0x1  }
0x92: {  	s4 =	sld [smem:$0x3FFB];
	_ =	sdelay $0x3  }
0x93: {  	_ =	strace s4  }
0x94: {  	s4 =	sld [smem:$0x3FFC];
	_ =	sdelay $0x3  }
0x95: {  	_ =	strace s4  }
0x96: {  	s4 =	sld [smem:$0x3FFD];
	_ =	sdelay $0x3  }
0x97: {  	_ =	strace s4  }
0x98: {  	_ =	strace $0x8FFFFFFF  }
0x99: {  	s19 =	sld [smem:$0x3FDB];
	_ =	sdelay $0x1  }
0x9a: {  	s5 =	simm.s32 $_scs_section_size  }
0x9b: {  	s6 =	simm.s32 $_size__tile_overlayer_lowered;
	s7 =	simm.s32 $_tile_overlayer_lowered  }
0x9c: {  	s22 =	simm.s32 $0x1BFF;
	s21 =	sshll.u32 s7, $0x1;
	s4 =	sadd.s32 s5, s19  }
0x9d: {  	s8 =	simm.s32 $0x0;
	s20 =	sshll.u32 s6, $0x1;
	s6 =	sadd.s32 s21, s4  }
0x9e: {  	[timem:s8], [sflag:s22] =	dma.local [hbm:s6], s20  }
0x9f: {  	_ =	swait.ge [sflag:s22], s20  }
0xa0: {  	s5 =	ssub.s32 $0x0, s20;
	[sflag:s22] =	ssyncset.done $0x0  }
0xa1: {  	[sflag:s22] =	ssyncadd.s32 s5;
	_ =	sdelay $0x1  }
0xa2: {  	s23 =	simm.s32 $0x1B8B  }
0xa3: {  	_ =	swait.ge [sflag:s23], $0x1  }
0xa4: {  	[sflag:s23] =	ssyncset.done $0x0  }
0xa5: {  	s25 =	simm.s32 $0x1B8E;
	s24 =	sld [smem:$0x3FFE];
	[sflag:s23] =	ssyncadd.s32 $0xFFFFFFFF  }
0xa6: {  	s26 =	simm.s32 $execute0_lowered;
	[smem:$0x3FD2] =	sst s25  }
0xa7: {  	s6 =	sshll.u32 s26, $0x1;
	_ =	strace $0x80000046;
	[dreg:$0x1] =	wrdreg $0xFFFFFFFF  }
0xa8: {  	s28 =	simm.s32 $_size_execute0_lowered;
	s4 =	sadd.s32 s4, s6;
	[dreg:$0x0] =	wrdreg $0x0  }
0xa9: {  	s6 =	sshll.u32 s28, $0x1;
	[dreg:$0x2] =	wrdreg s4  }
0xaa: {  	[dreg:$0x3] =	wrdreg s6  }
0xab: {  	[dreg:$0x4] =	wrdreg $0xC0  }
0xac: {  	_ =	task [dreg:s8], $0x5FFFF  }
0xad: {  	[dreg:$0x1] =	wrdreg $0xFFFFFFFF  }
0xae: {  	[dreg:$0x0] =	wrdreg $0x60  }
0xaf: {  	[dreg:$0x2] =	wrdreg s24  }
0xb0: {  	[dreg:$0x3] =	wrdreg s2  }
0xb1: {  	[dreg:$0x4] =	wrdreg s18  }
0xb2: {  	[dreg:$0x5] =	wrdreg $0xE8000  }
0xb3: {  	[dreg:$0x6] =	wrdreg $0x9  }
0xb4: {  	_ =	task.clear_ibuf [dreg:s8], $0x7FFFF;
	_ =	strace $0x90000046  }
0xb5: {  	s29 =	simm.s32 $0x9;
	_ =	strace $0x80000048  }
0xb6: {  	_ =	swait.ge [sflag:s29], $0x1  }
0xb7: {  	[sflag:s29] =	ssyncadd.s32 $0xFFFFFFFF  }
0xb8: {  	_ =	strace $0x90000048  }
0xb9: {  	_ =	sfence  }
0xba: {  	s30 =	sld [smem:$0x0];
	_ =	sdelay $0x2  }
0xbb: {  	s31 =	sshll.u32 s1, $0xD;
	s1 =	sshrl.u32 s1, $0x2  }
0xbc: {  	s3 =	sand.u32 $0x4000, s31;
	s1 =	sadd.s32 s1, s30  }
0xbd: {  	s0 =	sor.u32 s3, s0;
	s1 =	sshll.u32 s1, $0x11  }
0xbe: {  	s0 =	sor.u32 s1, s0  }
0xbf: {  	s0 =	sadd.s32 $0x8F2B, s0  }
0xc0: {  	[sflag:s0] =	ssyncadd.remote.s32 $0x1  }
0xc1: {  	_ =	sfence.sel $0xFFFF  }
0xc2: {  	[dreg:$0x0] =	wrdreg $0xFFFFFFFF;
	(pc) =	sbr.abs _section_cstart, $3  }
0xc3: {  	[dreg:$0x1] =	wrdreg $0xFFFFFFFF  }
0xc4: {  	_ =	task.clear_ibuf [dreg:s8], $0x2FFFF;
	_ =	strace $0x9FFFFFFF  }
0xc5: {  	(tm) =	ssettm $0x7FFFFFFF  }
tec
execute0_lowered:
.L_overlay_start_1:
0x0: {  	(tag) =	ssettag $0x1  }
0x1: {  	s0 =	rddreg [dreg:$0x0]  }
0x2: {  	s8 =	rddreg [dreg:$0x1]  }
0x3: {  	s9 =	rddreg [dreg:$0x2]  }
0x4: {  	s1 =	stileid.u32;
	s2 =	srdreg.scid  }
0x5: {  	s3 =	rddreg [dreg:$0x3];
	s6 =	simm.s32 $0x0;
	s28 =	simm.s32 $0x80  }
0x6: {  	s29 =	simm.s32 $0x400;
	s30 =	simm.s32 $0x2;
	s31 =	simm.s32 $0x3  }
0x7: {  	s10 =	simm.s32 $0x8;
	s4 =	smul.u32 $0xC800, s1;
	s2 =	sand.u32 $0x1, s2  }
0x8: {  	[smem:$0x7FF] =	sst s6;
	s15 =	sshll.u32 s1, $0xB;
	s16 =	smul.u32 $0x64000, s1  }
0x9: {  	p0 =	sne.s32 s1, $0x0;
	p1 =	seq.s32 s1, $0x0;
	s1 =	simm.s32 $0x0  }
0xa: {  	s5 =	ssub.s32 $0x2, s2;
	_ =	strace $0x80000047;
	s14 =	smul.u32 $0x3D0A00, s2  }
0xb: {  	s6 =	sand.u32 $0x800, s15;
	s13 =	sshrl.u32 s4, $0x3;
	s7 =	sshrl.u32 s5, $0x1  }
0xc: {  	s4 =	sshrl.u32 s4, $0x6;
	s18 =	sxor.u32 $0x800, s6;
	s19 =	sadd.s32 $0x8000, s16  }
0xd: {  	[dreg:$0x7] =	wrdreg s6;
	s20 =	sadd.s32 s6, s9;
	s21 =	sadd.s32 $0xC000, s16  }
0xe: {  	s23 =	sadd.s32 $0x4000, s16;
	s25 =	sand.u32 $0x7F8000, s16;
	s0 =	sadd.s32 s13, s0  }
0xf: {  	s5 =	ssub.s32 s5, s7;
	s13 =	sshll.u32 s2, $0x5;
	s17 =	sadd.s32 $0x300, s4  }
0x10: {  	s4 =	sand.u32 $0xFF8000, s19;
	s2 =	sshll.u32 s2, $0xE;
	[dreg:$0xa] =	wrdreg s20  }
0x11: {  	s22 =	sand.u32 $0xFF8000, s21;
	s24 =	sand.u32 $0xFF8000, s23;
	s0 =	sadd.s32 $0x400, s0  }
0x12: {  	s19 =	simm.s32 $0x800;
	s5 =	smax.u32 s5, $0x1;
	[dreg:$0x5] =	wrdreg s0  }
0x13: {  	s20 =	simm.s32 $0xC800;
	s4 =	sor.u32 s2, s4;
	[dreg:$0x9] =	wrdreg s5  }
0x14: {  	s21 =	simm.s32 $0xD000;
	s26 =	sor.u32 s2, s25;
	[dreg:$0xb] =	wrdreg s4  }
0x15: {  	s23 =	simm.s32 $0xD800;
	s0 =	sadd.s32 s8, s14;
	[dreg:$0xf] =	wrdreg s26  }
0x16: {  	s7 =	simm.s32 $0x7;
	[dreg:$0x6] =	wrdreg s0;
	s0 =	sand.u32 $0x7FC0, s17  }
.Ltmp0:
0x17: {  	[dreg:$0x8] =	wrdreg s0;
	s0 =	sadd.s32 s18, s9;
	(pc) =	sbr.rel .LBB2_1-.Ltmp0, $4  }
0x18: {  	s25 =	simm.s32 $0xE000;
	[dreg:$0xc] =	wrdreg s0;
	s0 =	sor.u32 s2, s22  }
0x19: {  	s26 =	simm.s32 $0x1;
	[dreg:$0xd] =	wrdreg s0;
	s0 =	sor.u32 s2, s24  }
0x1a: {  	s4 =	simm.s32 $0x5;
	[dreg:$0xe] =	wrdreg s0;
	s0 =	sshrl.u32 @!p0 s3, $0x3  }
0x1b: {  	s5 =	simm.s32 $0x6;
	s2 =	simm.s32 $0x4;
	[dreg:$0x10] =	wrdreg s0  }
.LBB2_6:
0x1c: {  	s1 =	rddreg [dreg:$0x11]  }
0x1d: {  	s0 =	rddreg [dreg:$0x9];
	s1 =	sadd.s32 $0x1, s1  }
0x1e: {  	p2 =	sne.s32 s1, s0  }
.Ltmp1:
0x1f: {  	_ = 	snop;
	(pc) =	sbr.rel @!p2 .LBB2_7-.Ltmp1, $1  }
0x20: {  	_ =	sdelay $0x3  }
.LBB2_1:
0x21: {  	[dreg:$0x11] =	wrdreg s1  }
0x22: {  	s0 =	simm.s32 $0x0;
	s22 =	rddreg [dreg:$0x5];
	s24 =	simm.s32 $0xA  }
0x23: {  	[tilespmem:s0], [sflag:$0xA] =	stream.linear.gather [hbm4b:s22+s0], $0xC800, $0x38;
	[tilespmem:$0x1DC28] =	vst v63  }
0x24: {  	s1 =	simm.s32 @!p0 $0x10;
	s6 =	simm.s32 @!p0 $0x80;
	_ =	swait.ge [sflag:s24], $0xC800  }
0x25: {  	s8 =	simm.s32 @!p0 $0x1C09;
	[sflag:s24] =	ssyncset.done $0x0;
	s9 =	rddreg [dreg:$0x6]  }
0x26: {  	s0 =	simm.s32 @!p0 $0x1;
	s11 =	rddreg [dreg:$0x10];
	[sflag:s24] =	ssyncadd.s32 $0xFFFF3800  }
0x27: {  	[spmem:s11@s1], [sflag:s8] =	dma.strided @!p0 [hbm:s9@s6], $0x1E850, s0, $0x10   }
0x28: {  	s0 =	simm.s32 @!p0 $0x9  }
.Ltmp2:
0x29: {  	_ =	swait.ge @!p0 [sflag:s0], $0x1E850;
	(pc) =	sbr.rel .LBB2_2-.Ltmp2, $4  }
0x2a: {  	s16 =	rddreg [dreg:$0xf]  }
0x2b: {  	s15 =	rddreg [dreg:$0xe]  }
0x2c: {  	s18 =	simm.s32 $0x0;
	[sflag:s0] =	ssyncset.done @!p0 $0x0;
	s14 =	rddreg [dreg:$0xd]  }
0x2d: {  	s12 =	simm.s32 $0x0;
	s17 =	rddreg [dreg:$0xb];
	[sflag:s0] =	ssyncadd.s32 @!p0 $0xFFFE17B0  }
.LBB2_5:
0x2e: {  	p2 =	sne.s32 s12, $0x1F  }
0x2f: {  	p2 =	por !p1, !p2  }
0x30: {  	s12 =	sadd.s32 $0x1, s12;
	p2 =	por !p2, !p2  }
0x31: {  	_ =	swait.ge [sflag:s26], $0x800;
	s6 =	sadd.s32 @p2 s1, s12  }
0x32: {  	[sflag:s26] =	ssyncset.done $0x0;
	s6 =	sshrl.u32 @p2 s6, $0x3  }
0x33: {  	[sflag:s26] =	ssyncadd.s32 $0xFFFFF800;
	s8 =	sshll.u32 @p2 s12, $0x7;
	s6 =	smul.u32 @p2 $0x7A1400, s6  }
0x34: {  	[bflag:$0x0] =	sbarrier.arrive $0xFFFF;
	s8 =	sand.u32 @p2 $0x380, s8  }
0x35: {  	s9 =	simm.s32 @p2 $0x1;
	s11 =	simm.s32 @p2 $0x10;
	s6 =	sor.u32 @p2 s8, s6  }
0x36: {  	s13 =	simm.s32 @p2 $0x80;
	s8 =	rddreg [dreg:$0x1];
	s6 =	sshrl.u32 @p2 s6, $0x3  }
0x37: {  	s22 =	simm.s32 @p2 $0x1C09;
	s6 =	sadd.s32 @p2 s8, s6;
	s8 =	sshrl.u32 @p2 s3, $0x3  }
0x38: {  	[spmem:s8@s11], [sflag:s22] =	dma.strided @p2 [hbm:s6@s13], $0x1E850, s9, $0x10   }
0x39: {  	s22 =	rddreg [dreg:$0x8]  }
0x3a: {  	s13 =	smov.u32 s1;
	s1 =	sadd.s32 s22, s16  }
0x3b: {  	s1 =	sshll.u32 s1, $0x9  }
0x3c: {  	s6 =	rddreg [dreg:$0x7];
	s1 =	sand.u32 $0xFFF000, s1  }
0x3d: {  	s1 =	sor.u32 s1, s6  }
0x3e: {  	s0 =	sadd.s32 s1, s0  }
0x3f: {  	[hbm4b:s0+s28] =	stream.strided.scatter [tilespmem:s20], [sflag:$0x5], $0x800, s29, s28, $0x38;
	[tilespmem:$0x1DC28] =	vst v63  }
0x40: {  	_ =	swait.ge [sflag:s5], $0x800  }
0x41: {  	[sflag:s5] =	ssyncset.done $0x0  }
0x42: {  	[sflag:s5] =	ssyncadd.s32 $0xFFFFF800  }
0x43: {  	_ =	swait.ge [sflag:s7], $0x800  }
0x44: {  	[sflag:s7] =	ssyncset.done $0x0  }
0x45: {  	[sflag:s7] =	ssyncadd.s32 $0xFFFFF800  }
0x46: {  	_ =	swait.ge [sflag:s10], $0x800  }
0x47: {  	[sflag:s10] =	ssyncset.done $0x0  }
0x48: {  	[sflag:s10] =	ssyncadd.s32 $0xFFFFF800  }
0x49: {  	_ =	swait.ge [sflag:s4], $0x800  }
0x4a: {  	[sflag:s4] =	ssyncset.done $0x0  }
0x4b: {  	s0 =	simm.s32 @p2 $0x9;
	[sflag:s4] =	ssyncadd.s32 $0xFFFFF800  }
0x4c: {  	_ =	swait.ge @p2 [sflag:s0], $0x1E850  }
0x4d: {  	[sflag:s0] =	ssyncset.done @p2 $0x0  }
0x4e: {  	[sflag:s0] =	ssyncadd.s32 @p2 $0xFFFE17B0;
	p2 =	sne.s32 s12, $0x20  }
.Ltmp3:
0x4f: {  	_ = 	snop;
	(pc) =	sbr.rel @!p2 .LBB2_6-.Ltmp3, $3  }
0x50: {  	_ =	sdelay $0x1  }
0x51: {  	s17 =	sadd.s32 $0x200, s17;
	s18 =	sadd.s32 $0x1, s18;
	s24 =	rddreg [dreg:$0x12]  }
0x52: {  	s14 =	sadd.s32 $0x200, s14;
	s15 =	sadd.s32 $0x200, s15;
	s16 =	sadd.s32 $0x200, s24  }
.LBB2_2:
0x53: {  	[bflag:$0x0] =	sbarrier.arrive $0xFFFF;
	s22 =	simm.s32 $0x0  }
0x54: {  	[tilespmem:s20], [sflag:$0x1] =	stream.indirect.gather [spmem:s3], $0x1, s22, s19, $0xb8;
	[tilespmem:$0x1DC28] =	vst v63  }
0x55: {  	s0 =	sand.u32 $0xFFFFF000, s17;
	s1 =	sshll.u32 s18, $0x4;
	s9 =	rddreg [dreg:$0xa]  }
0x56: {  	s6 =	sand.u32 $0xFFFFF000, s14;
	s8 =	simm.s32 $0x1000;
	s11 =	rddreg [dreg:$0xc]  }
0x57: {  	s1 =	sand.u32 $0x70, s1;
	[dreg:$0x12] =	wrdreg s16;
	s0 =	sadd.s32 s0, s9  }
0x58: {  	[tilespmem:s21], [sflag:$0x2] =	stream.indirect.gather [spmem:s3], $0x1, s19, s19, $0xb8;
	[tilespmem:$0x1DC28] =	vst v63  }
0x59: {  	s24 =	sadd.s32 s1, s0;
	s0 =	sadd.s32 s6, s11;
	s6 =	sand.u32 $0xFFFFF000, s16  }
0x5a: {  	[tilespmem:s23], [sflag:$0x3] =	stream.indirect.gather [spmem:s3], $0x1, s8, s19, $0xb8;
	[tilespmem:$0x1DC28] =	vst v63  }
0x5b: {  	s16 =	smov.u32 s13;
	s8 =	sadd.s32 s1, s0;
	s0 =	sand.u32 $0xFFFFF000, s15  }
0x5c: {  	s13 =	simm.s32 $0x1800;
	s6 =	sadd.s32 s6, s9;
	s0 =	sadd.s32 s0, s11  }
0x5d: {  	[tilespmem:s25], [sflag:$0x4] =	stream.indirect.gather [spmem:s3], $0x1, s13, s19, $0xb8;
	[tilespmem:$0x1DC28] =	vst v63  }
0x5e: {  	s6 =	sadd.s32 s1, s6;
	s13 =	sshll.u32 s12, $0x4;
	s9 =	sadd.s32 s1, s0  }
0x5f: {  	s1 =	smov.u32 s16;
	s11 =	sand.u32 $0x70, s13;
	s13 =	rddreg [dreg:$0x2]  }
0x60: {  	s16 =	sor.u32 s16, s12;
	s0 =	sadd.s32 s13, s11;
	s11 =	simm.s32 $0x3800  }
.LBB2_3:
0x61: {  	_ =	swait.ge [sflag:s26], $0x800  }
0x62: {  	[sflag:s26] =	ssyncset.done $0x0  }
0x63: {  	s13 =	sadd.s32 s22, s6;
	[sflag:s26] =	ssyncadd.s32 $0xFFFFF800  }
0x64: {  	[hbm4b:s13+s28] =	stream.strided.scatter [tilespmem:s20], [sflag:$0x5], $0x800, s29, s28, $0x38;
	[tilespmem:$0x1DC28] =	vst v63  }
0x65: {  	_ =	swait.ge [sflag:s30], $0x800  }
0x66: {  	[sflag:s30] =	ssyncset.done $0x0  }
0x67: {  	s13 =	sadd.s32 s22, s9;
	[sflag:s30] =	ssyncadd.s32 $0xFFFFF800  }
0x68: {  	[hbm4b:s13+s28] =	stream.strided.scatter [tilespmem:s21], [sflag:$0x6], $0x800, s29, s28, $0x38;
	[tilespmem:$0x1DC28] =	vst v63  }
0x69: {  	_ =	swait.ge [sflag:s31], $0x800  }
0x6a: {  	[sflag:s31] =	ssyncset.done $0x0  }
0x6b: {  	s13 =	sadd.s32 s22, s24;
	[sflag:s31] =	ssyncadd.s32 $0xFFFFF800  }
0x6c: {  	[hbm4b:s13+s28] =	stream.strided.scatter [tilespmem:s23], [sflag:$0x7], $0x800, s29, s28, $0x38;
	[tilespmem:$0x1DC28] =	vst v63  }
0x6d: {  	_ =	swait.ge [sflag:s2], $0x800  }
0x6e: {  	[sflag:s2] =	ssyncset.done $0x0  }
0x6f: {  	p2 =	seq.s32 s22, $0x50000;
	s13 =	sadd.s32 s22, s8;
	[sflag:s2] =	ssyncadd.s32 $0xFFFFF800  }
0x70: {  	[hbm4b:s13+s28] =	stream.strided.scatter [tilespmem:s25], [sflag:$0x8], $0x800, s29, s28, $0x38;
	[tilespmem:$0x1DC28] =	vst v63  }
.Ltmp4:
0x71: {  	_ = 	snop;
	(pc) =	sbr.rel @p2 .LBB2_5-.Ltmp4, $4  }
0x72: {  	_ =	swait.ge [sflag:s4], $0x800  }
0x73: {  	[sflag:s4] =	ssyncset.done $0x0  }
0x74: {  	s13 =	sadd.s32 $0xFFFFE800, s11;
	[sflag:s4] =	ssyncadd.s32 $0xFFFFF800  }
0x75: {  	[tilespmem:s20], [sflag:$0x1] =	stream.indirect.gather [spmem:s3], $0x1, s13, s19, $0xb8;
	[tilespmem:$0x1DC28] =	vst v63  }
0x76: {  	_ =	swait.ge [sflag:s5], $0x800  }
0x77: {  	[sflag:s5] =	ssyncset.done $0x0  }
0x78: {  	s13 =	sadd.s32 $0xFFFFF000, s11;
	[sflag:s5] =	ssyncadd.s32 $0xFFFFF800  }
0x79: {  	[tilespmem:s21], [sflag:$0x2] =	stream.indirect.gather [spmem:s3], $0x1, s13, s19, $0xb8;
	[tilespmem:$0x1DC28] =	vst v63  }
0x7a: {  	_ =	swait.ge [sflag:s7], $0x800  }
0x7b: {  	[sflag:s7] =	ssyncset.done $0x0  }
0x7c: {  	s13 =	sadd.s32 $0xFFFFF800, s11;
	[sflag:s7] =	ssyncadd.s32 $0xFFFFF800  }
0x7d: {  	[tilespmem:s23], [sflag:$0x3] =	stream.indirect.gather [spmem:s3], $0x1, s13, s19, $0xb8;
	[tilespmem:$0x1DC28] =	vst v63  }
.Ltmp5:
0x7e: {  	_ =	swait.ge [sflag:s10], $0x800;
	(pc) =	sbr.rel .LBB2_3-.Ltmp5, $4  }
0x7f: {  	[sflag:s10] =	ssyncset.done $0x0  }
0x80: {  	[sflag:s10] =	ssyncadd.s32 $0xFFFFF800  }
0x81: {  	[tilespmem:s25], [sflag:$0x4] =	stream.indirect.gather [spmem:s3], $0x1, s11, s19, $0xb8;
	[tilespmem:$0x1DC28] =	vst v63  }
0x82: {  	s22 =	sadd.s32 $0x10000, s22;
	s11 =	sadd.s32 $0x2000, s11  }
.LBB2_7:
0x83: {  	_ =	sfence.sel $0x180000  }
0x84: {  	[bflag:$0x0] =	sbarrier.arrive $0xFFFF  }
0x85: {  	_ =	strace $0x90000047  }
0x86: {  	[bflag:$0x2] =	sbarrier.arrive $0xFFFF  }
0x87: {  	s0 =	rddreg [dreg:$0x4]  }
0x88: {  	s0 =	sadd.s32 @!p0 $0x100000, s0  }
0x89: {  	[sflag:s0] =	ssyncadd.tile.s32 @!p0 $0x1;
	_ =	shalt  }
.Lfunc_end2:
_tile_overlayer_lowered:
.L_overlay_start_2:
0x8a: {  	(tag) =	ssettag $0x2  }
0x8b: {  	s0 =	rddreg [dreg:$0x0];
	s2 =	stileid.u32  }
0x8c: {  	s1 =	rddreg [dreg:$0x1];
	p0 =	sne.s32 s2, $0x0  }
0x8d: {  	s3 =	rddreg [dreg:$0x2];
	[bflag:$0x3] =	sbarrier.arrive $0xFFFF;
	s2 =	simm.s32 @!p0 $0x1C0A  }
0x8e: {  	[timem:s3], [sflag:s2] =	dma.local @!p0 [hbm:s0], s1  }
0x8f: {  	s0 =	simm.s32 @!p0 $0xA  }
0x90: {  	_ =	swait.ge @!p0 [sflag:s0], s1  }
0x91: {  	s1 =	ssub.s32 @!p0 $0x0, s1;
	[sflag:s0] =	ssyncset.done @!p0 $0x0  }
0x92: {  	[sflag:s0] =	ssyncadd.s32 @!p0 s1  }
0x93: {  	[bflag:$0x3] =	sbarrier.arrive $0xFFFF  }
0x94: {  	_ =	shalt  }

</sc_bundles>
